<compile_context>
chip_gen: v7x
topology: tpu7x:2x2x1
jax: 0.10.2.dev20260603
libtpu: 0.0.44.dev20260713+nightly
codegen_flags: <defaults>
</compile_context>

<pallas_src>
import jax
import jax.numpy as jnp
import numpy as np
from jax.experimental import pallas as pl
from jax.experimental.pallas import tpu as pltpu

N_TIME, PER_DIM = 6, 6

_INV_PI = np.float32(0.3183098861837907)
_PI_HI = np.float32(3.140625)
_PI_LO = np.float32(9.676535897932795e-4)
_S3 = np.float32(-1.6665861e-01)
_S5 = np.float32(8.3121910e-03)
_S7 = np.float32(-1.8497128e-04)


def _fast_sin(x):
    kf = jnp.round(x * _INV_PI)
    r = x - kf * _PI_HI
    r = r - kf * _PI_LO
    r2 = r * r
    p = r + r * (r2 * (_S3 + r2 * (_S5 + r2 * _S7)))
    odd = jax.lax.shift_left(kf.astype(jnp.int32), np.int32(31))
    return jax.lax.bitcast_convert_type(
        jax.lax.bitcast_convert_type(p, jnp.int32) ^ odd, jnp.float32)


def _body(vr_ref, feat_ref, w_ref, b_ref, le_ref, out_ref, vid_ref):
    bb = pl.program_id(0)
    d_in, rows, lpr = vr_ref.shape[1], vr_ref.shape[2], vr_ref.shape[3]
    flat = feat_ref.shape[2]
    d_model = flat // lpr
    lng = rows * lpr

    xa = feat_ref[0] * w_ref[...] + b_ref[...]
    m = jax.lax.broadcasted_iota(jnp.int32, (rows, flat), 1)
    c = m % d_model
    sinsel = (c >= 1) & (c <= N_TIME * PER_DIM) & ((c - 1) % PER_DIM != 0)
    base = le_ref[...] + jnp.where(sinsel, _fast_sin(xa), xa)

    q = jax.lax.broadcasted_iota(jnp.int32, (lpr, flat), 0)
    mc = jax.lax.broadcasted_iota(jnp.int32, (lpr, flat), 1)
    spread = (mc == q * d_model).astype(jnp.float32)
    for dd in range(d_in):
        out_ref[0, dd * rows:(dd + 1) * rows, :] = base + jnp.dot(
            vr_ref[0, dd], spread, preferred_element_type=jnp.float32)

    @pl.when(bb == 0)
    def _fill_vid():
        t = jax.lax.broadcasted_iota(jnp.int32, vid_ref.shape, 1)
        vid_ref[...] = t // lng


def kernel(input, dates, cmax, time_w, time_b, local_emb, space_emb):
    b, length, d_input = input.shape
    d_model = local_emb.shape[1]
    n_time, per_dim = time_w.shape
    nt = n_time * per_dim
    lpr = 16
    flat = lpr * d_model
    rows = length // lpr

    feats = jnp.concatenate(
        [jnp.zeros((b, length, 1), jnp.float32),
         jnp.repeat(dates, per_dim, axis=-1), cmax],
        axis=-1).reshape(b, rows, flat)
    w1 = jnp.concatenate(
        [jnp.zeros((1,), jnp.float32), time_w.reshape(-1),
         jnp.ones((d_model - 1 - nt,), jnp.float32)])
    b1 = jnp.concatenate(
        [jnp.zeros((1,), jnp.float32), time_b.reshape(-1),
         jnp.zeros((d_model - 1 - nt,), jnp.float32)])
    w640 = jnp.tile(w1, lpr)[None, :]
    b640 = jnp.tile(b1, lpr)[None, :]
    le_flat = local_emb[:length, :].reshape(rows, flat)
    vr = (input + space_emb.reshape(1, 1, d_input)).transpose(0, 2, 1) \
        .reshape(b, d_input, rows, lpr)

    out, vid = pl.pallas_call(
        _body,
        grid=(b,),
        in_specs=[
            pl.BlockSpec((1, d_input, rows, lpr), lambda bb: (bb, 0, 0, 0)),
            pl.BlockSpec((1, rows, flat), lambda bb: (bb, 0, 0)),
            pl.BlockSpec((1, flat), lambda bb: (0, 0)),
            pl.BlockSpec((1, flat), lambda bb: (0, 0)),
            pl.BlockSpec((rows, flat), lambda bb: (0, 0)),
        ],
        out_specs=[
            pl.BlockSpec((1, d_input * rows, flat), lambda bb: (bb, 0, 0)),
            pl.BlockSpec((b, d_input * length), lambda bb: (0, 0)),
        ],
        out_shape=[
            jax.ShapeDtypeStruct((b, d_input * rows, flat), jnp.float32),
            jax.ShapeDtypeStruct((b, d_input * length), jnp.int32),
        ],
        compiler_params=pltpu.CompilerParams(
            dimension_semantics=("arbitrary",)),
    )(vr, feats, w640, b640, le_flat)
    return out.reshape(b, d_input * length, d_model), vid

# --- scband reference (transcript-rebuilt; emitter-appended) ---
"""Pipeline reference for scband-embedding-24567212933659 (READ-ONLY COPY).

The authoritative reference and input builder live on the scoring server;
editing this copy changes nothing except your own understanding.
"""

import jax, jax.numpy as jnp
import numpy as np

B, L, D_INPUT = 8, 2048, 16
N_TIME = 6
TIME_EMB_DIM = 6
D_MODEL = 40
MAX_SEQ_LEN = 4096
CMAX_DIM = 3


def setup_inputs(seed: int = 0) -> dict:
    key = jax.random.key(seed)
    ks = jax.random.split(key, 7)
    return {
        "input": jax.random.normal(ks[0], (B, L, D_INPUT), dtype=jnp.float32),
        "dates": jax.random.uniform(ks[1], (B, L, N_TIME), dtype=jnp.float32),
        "cmax": jax.random.normal(ks[2], (B, L, CMAX_DIM), dtype=jnp.float32),
        "time_w": jax.random.normal(ks[3], (N_TIME, TIME_EMB_DIM), dtype=jnp.float32),
        "time_b": jax.random.normal(ks[4], (N_TIME, TIME_EMB_DIM), dtype=jnp.float32),
        "local_emb": jax.random.normal(ks[5], (MAX_SEQ_LEN, D_MODEL), dtype=jnp.float32) * 0.02,
        "space_emb": jax.random.normal(ks[6], (D_INPUT, 1), dtype=jnp.float32) * 0.02,
    }


def time2vec(x, w, b):
    # torch: diag_embed(x) @ W + bias ; (diag(x) @ W)[i, j] = x_i * W[i, j]
    xa = x[..., None] * w + b  # [B, T, n_time, per_dim]
    xa = jnp.concatenate([xa[..., :1], jnp.sin(xa[..., 1:])], axis=-1)
    return xa.reshape(xa.shape[0], xa.shape[1], -1)  # [B, T, n_time*per_dim]


def reference(input, dates, cmax, time_w, time_b, local_emb, space_emb):
    b, length, d_input = input.shape
    T = d_input * length
    # position embedding (abs): repeat(arange(length), 'l -> b (d l)')
    local_pos = jnp.tile(jnp.arange(length, dtype=jnp.int32), d_input)  # [d*l]
    position_emb = jnp.take(local_emb, local_pos, axis=0)  # [d*l, d_model]
    position_emb = jnp.broadcast_to(position_emb[None], (b, T, local_emb.shape[1]))
    # dates repeated: 'b len x -> b (d_input len) x'
    dates_r = jnp.tile(dates, (1, d_input, 1))
    time_emb = time2vec(dates_r, time_w, time_b)  # [b, T, 36]
    # Flatten: 'b l d -> b (d l) 1'
    val_emb = jnp.transpose(input, (0, 2, 1)).reshape(b, T, 1)
    # var idx: repeat(arange(d_input), 'dy -> b (dy length)')
    var_idx = jnp.repeat(jnp.arange(d_input, dtype=jnp.int32), length)  # [T]
    var_idx_true = jnp.broadcast_to(var_idx[None], (b, T))
    sp = jnp.take(space_emb, var_idx, axis=0)  # [T, 1]
    sp = jnp.broadcast_to(sp[None], (b, T, 1))
    # emb_dropout p=0.0 -> identity
    val_time_emb = jnp.concatenate([val_emb + sp, time_emb], axis=-1)
    # cmax spread: repeat 'b len d -> b (ratio len) d'
    ratio = val_time_emb.shape[1] // cmax.shape[1]
    cmax_spread = jnp.tile(cmax, (1, ratio, 1))
    val_time_emb = jnp.concatenate([val_time_emb, cmax_spread], axis=-1)
    out = position_emb + val_time_emb  # [b, T, d_model]
    # pad_value is None -> mask is None; downsize_convs empty
    return out, var_idx_true

if __name__ == "__main__":
    import jax
    _d = setup_inputs()
    print(jax.jit(kernel)(*tuple(_d.values())))

</pallas_src>

<mosaic_0001>
module attributes {stable_mosaic.version = 14 : i64} {
  func.func @_body(%arg0: i32, %arg1: memref<1x16x128x16xf32, #tpu.memory_space<vmem>>, %arg2: memref<1x128x640xf32, #tpu.memory_space<vmem>>, %arg3: memref<1x640xf32, #tpu.memory_space<vmem>>, %arg4: memref<1x640xf32, #tpu.memory_space<vmem>>, %arg5: memref<128x640xf32, #tpu.memory_space<vmem>>, %arg6: memref<1x2048x640xf32, #tpu.memory_space<vmem>>, %arg7: memref<8x32768xi32, #tpu.memory_space<vmem>>) attributes {dimension_semantics = [#tpu.dimension_semantics<arbitrary>], iteration_bounds = array<i64: 8>, scalar_prefetch = 0 : i64, scratch_operands = 0 : i64, tpu.core_type = #tpu.core_type<tc>, window_params = [{transform_indices = @transform_0, window_bounds = array<i64: 1, 16, 128, 16>}, {transform_indices = @transform_1, window_bounds = array<i64: 1, 128, 640>}, {pipeline_mode = #tpu.pipeline_mode<synchronous>, transform_indices = @transform_2, window_bounds = array<i64: 1, 640>}, {pipeline_mode = #tpu.pipeline_mode<synchronous>, transform_indices = @transform_3, window_bounds = array<i64: 1, 640>}, {pipeline_mode = #tpu.pipeline_mode<synchronous>, transform_indices = @transform_4, window_bounds = array<i64: 128, 640>}, {transform_indices = @transform_5, window_bounds = array<i64: 1, 2048, 640>}, {pipeline_mode = #tpu.pipeline_mode<synchronous>, transform_indices = @transform_6, window_bounds = array<i64: 8, 32768>}]} {
    %get3A = arith.constant 0 : index
    %get3A_0 = arith.constant 0 : index
    %get3A_1 = arith.constant 0 : index
    %get3A_2 = vector.load %arg2[%get3A, %get3A_0, %get3A_1] : memref<1x128x640xf32, #tpu.memory_space<vmem>>, vector<1x128x640xf32>
    %get3A_3 = vector.shape_cast %get3A_2 : vector<1x128x640xf32> to vector<128x640xf32>
    %get3A_4 = arith.constant 0 : index
    %get3A_5 = arith.constant 0 : index
    %get3A_6 = vector.load %arg3[%get3A_4, %get3A_5] : memref<1x640xf32, #tpu.memory_space<vmem>>, vector<1x640xf32>
    %mul3A = vector.broadcast %get3A_6 : vector<1x640xf32> to vector<128x640xf32>
    %mul3A_7 = arith.mulf %get3A_3, %mul3A : vector<128x640xf32>
    %get3A_8 = arith.constant 0 : index
    %get3A_9 = arith.constant 0 : index
    %get3A_10 = vector.load %arg4[%get3A_8, %get3A_9] : memref<1x640xf32, #tpu.memory_space<vmem>>, vector<1x640xf32>
    %add3A = vector.broadcast %get3A_10 : vector<1x640xf32> to vector<128x640xf32>
    %add3A_11 = arith.addf %mul3A_7, %add3A : vector<128x640xf32>
    %iota3A = tpu.iota {dimensions = array<i32: 1>} : vector<128x640xi32>
    %jit3A = arith.constant 40 : i32
    %eq3A = arith.constant 0 : i32
    %eq3A_12 = arith.cmpi eq, %jit3A, %eq3A : i32
    %jit3A_13 = arith.constant 1 : i32
    %select_n3A = arith.select %eq3A_12, %jit3A_13, %jit3A : i32
    %rem3A = vector.broadcast %select_n3A : i32 to vector<128x640xi32>
    %rem3A_14 = arith.remsi %iota3A, %rem3A : vector<128x640xi32>
    %ne3A = arith.constant 0 : i32
    %ne3A_15 = vector.broadcast %ne3A : i32 to vector<128x640xi32>
    %ne3A_16 = arith.cmpi ne, %rem3A_14, %ne3A_15 : vector<128x640xi32>
    %lt3A = arith.constant 0 : i32
    %lt3A_17 = vector.broadcast %lt3A : i32 to vector<128x640xi32>
    %lt3A_18 = arith.cmpi slt, %rem3A_14, %lt3A_17 : vector<128x640xi32>
    %lt3A_19 = arith.constant 0 : i32
    %lt3A_20 = arith.cmpi slt, %select_n3A, %lt3A_19 : i32
    %ne3A_21 = vector.broadcast %lt3A_20 : i1 to vector<128x640xi1>
    %ne3A_22 = vector.broadcast %ne3A_21 : vector<128x640xi1> to vector<128x640xi1>
    %ne3A_23 = arith.xori %lt3A_18, %ne3A_22 : vector<128x640xi1>
    %and3A = arith.andi %ne3A_23, %ne3A_16 : vector<128x640xi1>
    %add3A_24 = vector.broadcast %select_n3A : i32 to vector<128x640xi32>
    %add3A_25 = arith.addi %rem3A_14, %add3A_24 : vector<128x640xi32>
    %select_n3A_26 = arith.select %and3A, %add3A_25, %rem3A_14 : vector<128x640xi1>, vector<128x640xi32>
    %ge3A = arith.constant 1 : i32
    %ge3A_27 = vector.broadcast %ge3A : i32 to vector<128x640xi32>
    %ge3A_28 = arith.cmpi sge, %select_n3A_26, %ge3A_27 : vector<128x640xi32>
    %le3A = arith.constant 36 : i32
    %le3A_29 = vector.broadcast %le3A : i32 to vector<128x640xi32>
    %le3A_30 = arith.cmpi sle, %select_n3A_26, %le3A_29 : vector<128x640xi32>
    %and3A_31 = arith.andi %ge3A_28, %le3A_30 : vector<128x640xi1>
    %sub3A = arith.constant 1 : i32
    %sub3A_32 = vector.broadcast %sub3A : i32 to vector<128x640xi32>
    %sub3A_33 = arith.subi %select_n3A_26, %sub3A_32 : vector<128x640xi32>
    %jit3A_34 = arith.constant 6 : i32
    %eq3A_35 = arith.constant 0 : i32
    %eq3A_36 = arith.cmpi eq, %jit3A_34, %eq3A_35 : i32
    %jit3A_37 = arith.constant 1 : i32
    %select_n3A_38 = arith.select %eq3A_36, %jit3A_37, %jit3A_34 : i32
    %rem3A_39 = vector.broadcast %select_n3A_38 : i32 to vector<128x640xi32>
    %rem3A_40 = arith.remsi %sub3A_33, %rem3A_39 : vector<128x640xi32>
    %ne3A_41 = arith.constant 0 : i32
    %ne3A_42 = vector.broadcast %ne3A_41 : i32 to vector<128x640xi32>
    %ne3A_43 = arith.cmpi ne, %rem3A_40, %ne3A_42 : vector<128x640xi32>
    %lt3A_44 = arith.constant 0 : i32
    %lt3A_45 = vector.broadcast %lt3A_44 : i32 to vector<128x640xi32>
    %lt3A_46 = arith.cmpi slt, %rem3A_40, %lt3A_45 : vector<128x640xi32>
    %lt3A_47 = arith.constant 0 : i32
    %lt3A_48 = arith.cmpi slt, %select_n3A_38, %lt3A_47 : i32
    %ne3A_49 = vector.broadcast %lt3A_48 : i1 to vector<128x640xi1>
    %ne3A_50 = vector.broadcast %ne3A_49 : vector<128x640xi1> to vector<128x640xi1>
    %ne3A_51 = arith.xori %lt3A_46, %ne3A_50 : vector<128x640xi1>
    %and3A_52 = arith.andi %ne3A_51, %ne3A_43 : vector<128x640xi1>
    %add3A_53 = vector.broadcast %select_n3A_38 : i32 to vector<128x640xi32>
    %add3A_54 = arith.addi %rem3A_40, %add3A_53 : vector<128x640xi32>
    %select_n3A_55 = arith.select %and3A_52, %add3A_54, %rem3A_40 : vector<128x640xi1>, vector<128x640xi32>
    %ne3A_56 = arith.constant 0 : i32
    %ne3A_57 = vector.broadcast %ne3A_56 : i32 to vector<128x640xi32>
    %ne3A_58 = arith.cmpi ne, %select_n3A_55, %ne3A_57 : vector<128x640xi32>
    %and3A_59 = arith.andi %and3A_31, %ne3A_58 : vector<128x640xi1>
    %get3A_60 = arith.constant 0 : index
    %get3A_61 = arith.constant 0 : index
    %get3A_62 = vector.load %arg5[%get3A_60, %get3A_61] : memref<128x640xf32, #tpu.memory_space<vmem>>, vector<128x640xf32>
    %mul3A_63 = arith.constant 0.318309873 : f32
    %mul3A_64 = vector.broadcast %mul3A_63 : f32 to vector<128x640xf32>
    %mul3A_65 = arith.mulf %add3A_11, %mul3A_64 : vector<128x640xf32>
    %round3A = math.roundeven %mul3A_65 : vector<128x640xf32>
    %mul3A_66 = arith.constant 3.140625 : f32
    %mul3A_67 = vector.broadcast %mul3A_66 : f32 to vector<128x640xf32>
    %mul3A_68 = arith.mulf %round3A, %mul3A_67 : vector<128x640xf32>
    %sub3A_69 = arith.subf %add3A_11, %mul3A_68 : vector<128x640xf32>
    %mul3A_70 = arith.constant 9.67653584E-4 : f32
    %mul3A_71 = vector.broadcast %mul3A_70 : f32 to vector<128x640xf32>
    %mul3A_72 = arith.mulf %round3A, %mul3A_71 : vector<128x640xf32>
    %sub3A_73 = arith.subf %sub3A_69, %mul3A_72 : vector<128x640xf32>
    %mul3A_74 = arith.mulf %sub3A_73, %sub3A_73 : vector<128x640xf32>
    %mul3A_75 = arith.constant -1.84971286E-4 : f32
    %mul3A_76 = vector.broadcast %mul3A_75 : f32 to vector<128x640xf32>
    %mul3A_77 = arith.mulf %mul3A_74, %mul3A_76 : vector<128x640xf32>
    %add3A_78 = arith.constant 0.00831219088 : f32
    %add3A_79 = vector.broadcast %add3A_78 : f32 to vector<128x640xf32>
    %add3A_80 = arith.addf %add3A_79, %mul3A_77 : vector<128x640xf32>
    %mul3A_81 = arith.mulf %mul3A_74, %add3A_80 : vector<128x640xf32>
    %add3A_82 = arith.constant -0.16665861 : f32
    %add3A_83 = vector.broadcast %add3A_82 : f32 to vector<128x640xf32>
    %add3A_84 = arith.addf %add3A_83, %mul3A_81 : vector<128x640xf32>
    %mul3A_85 = arith.mulf %mul3A_74, %add3A_84 : vector<128x640xf32>
    %mul3A_86 = arith.mulf %sub3A_73, %mul3A_85 : vector<128x640xf32>
    %add3A_87 = arith.addf %sub3A_73, %mul3A_86 : vector<128x640xf32>
    %convert_element_type3A = arith.fptosi %round3A : vector<128x640xf32> to vector<128x640xi32>
    %shift_left3A = arith.constant 31 : i32
    %shift_left3A_88 = vector.broadcast %shift_left3A : i32 to vector<128x640xi32>
    %shift_left3A_89 = arith.shli %convert_element_type3A, %shift_left3A_88 : vector<128x640xi32>
    %bitcast_convert_type3A = tpu.bitcast %add3A_87 : vector<128x640xf32> -> vector<128x640xi32>
    %xor3A = arith.xori %bitcast_convert_type3A, %shift_left3A_89 : vector<128x640xi32>
    %bitcast_convert_type3A_90 = tpu.bitcast %xor3A : vector<128x640xi32> -> vector<128x640xf32>
    %select_n3A_91 = arith.select %and3A_59, %bitcast_convert_type3A_90, %add3A_11 : vector<128x640xi1>, vector<128x640xf32>
    %add3A_92 = arith.addf %get3A_62, %select_n3A_91 : vector<128x640xf32>
    %iota3A_93 = tpu.iota {dimensions = array<i32: 0>} : vector<16x640xi32>
    %iota3A_94 = tpu.iota {dimensions = array<i32: 1>} : vector<16x640xi32>
    %mul3A_95 = arith.constant 40 : i32
    %mul3A_96 = vector.broadcast %mul3A_95 : i32 to vector<16x640xi32>
    %mul3A_97 = arith.muli %iota3A_93, %mul3A_96 : vector<16x640xi32>
    %eq3A_98 = arith.cmpi eq, %iota3A_94, %mul3A_97 : vector<16x640xi32>
    %convert_element_type3A_99 = arith.extui %eq3A_98 : vector<16x640xi1> to vector<16x640xi32>
    %convert_element_type3A_100 = arith.sitofp %convert_element_type3A_99 : vector<16x640xi32> to vector<16x640xf32>
    %get3A_101 = arith.constant 0 : index
    %get3A_102 = arith.constant 0 : index
    %get3A_103 = arith.constant 0 : index
    %get3A_104 = arith.constant 0 : index
    %get3A_105 = vector.load %arg1[%get3A_101, %get3A_102, %get3A_103, %get3A_104] : memref<1x16x128x16xf32, #tpu.memory_space<vmem>>, vector<1x1x128x16xf32>
    %get3A_106 = vector.shape_cast %get3A_105 : vector<1x1x128x16xf32> to vector<128x16xf32>
    %dot_general3A = arith.constant dense<0.000000e+00> : vector<128x640xf32>
    %dot_general3A_107 = tpu.matmul %get3A_106, %convert_element_type3A_100, %dot_general3A {dimension_numbers = #tpu.dot_dimension_numbers<[1], [0], [0], [1], [0, 0, 1, 1], [], []>, transpose_lhs_hint = false} : vector<128x16xf32>, vector<16x640xf32>, vector<128x640xf32> -> vector<128x640xf32>
    %add3A_108 = arith.addf %add3A_92, %dot_general3A_107 : vector<128x640xf32>
    %swap3A = arith.constant 0 : index
    %swap3A_109 = arith.constant 0 : index
    %swap3A_110 = arith.constant 0 : index
    %swap3A_111 = vector.load %arg6[%swap3A, %swap3A_109, %swap3A_110] : memref<1x2048x640xf32, #tpu.memory_space<vmem>>, vector<1x128x640xf32>
    %swap3A_112 = vector.shape_cast %swap3A_111 : vector<1x128x640xf32> to vector<128x640xf32>
    %swap3A_113 = vector.shape_cast %add3A_108 : vector<128x640xf32> to vector<1x128x640xf32>
    tpu.vector_store %arg6[%swap3A, %swap3A_109, %swap3A_110], %swap3A_113 {strides = array<i32>} : memref<1x2048x640xf32, #tpu.memory_space<vmem>>, vector<1x128x640xf32>,
    %get3A_114 = arith.constant 0 : index
    %get3A_115 = arith.constant 1 : index
    %get3A_116 = arith.constant 0 : index
    %get3A_117 = arith.constant 0 : index
    %get3A_118 = vector.load %arg1[%get3A_114, %get3A_115, %get3A_116, %get3A_117] : memref<1x16x128x16xf32, #tpu.memory_space<vmem>>, vector<1x1x128x16xf32>
    %get3A_119 = vector.shape_cast %get3A_118 : vector<1x1x128x16xf32> to vector<128x16xf32>
    %dot_general3A_120 = arith.constant dense<0.000000e+00> : vector<128x640xf32>
    %dot_general3A_121 = tpu.matmul %get3A_119, %convert_element_type3A_100, %dot_general3A_120 {dimension_numbers = #tpu.dot_dimension_numbers<[1], [0], [0], [1], [0, 0, 1, 1], [], []>, transpose_lhs_hint = false} : vector<128x16xf32>, vector<16x640xf32>, vector<128x640xf32> -> vector<128x640xf32>
    %add3A_122 = arith.addf %add3A_92, %dot_general3A_121 : vector<128x640xf32>
    %swap3A_123 = arith.constant 0 : index
    %swap3A_124 = arith.constant 128 : index
    %swap3A_125 = arith.constant 0 : index
    %swap3A_126 = vector.load %arg6[%swap3A_123, %swap3A_124, %swap3A_125] : memref<1x2048x640xf32, #tpu.memory_space<vmem>>, vector<1x128x640xf32>
    %swap3A_127 = vector.shape_cast %swap3A_126 : vector<1x128x640xf32> to vector<128x640xf32>
    %swap3A_128 = vector.shape_cast %add3A_122 : vector<128x640xf32> to vector<1x128x640xf32>
    tpu.vector_store %arg6[%swap3A_123, %swap3A_124, %swap3A_125], %swap3A_128 {strides = array<i32>} : memref<1x2048x640xf32, #tpu.memory_space<vmem>>, vector<1x128x640xf32>,
    %get3A_129 = arith.constant 0 : index
    %get3A_130 = arith.constant 2 : index
    %get3A_131 = arith.constant 0 : index
    %get3A_132 = arith.constant 0 : index
    %get3A_133 = vector.load %arg1[%get3A_129, %get3A_130, %get3A_131, %get3A_132] : memref<1x16x128x16xf32, #tpu.memory_space<vmem>>, vector<1x1x128x16xf32>
    %get3A_134 = vector.shape_cast %get3A_133 : vector<1x1x128x16xf32> to vector<128x16xf32>
    %dot_general3A_135 = arith.constant dense<0.000000e+00> : vector<128x640xf32>
    %dot_general3A_136 = tpu.matmul %get3A_134, %convert_element_type3A_100, %dot_general3A_135 {dimension_numbers = #tpu.dot_dimension_numbers<[1], [0], [0], [1], [0, 0, 1, 1], [], []>, transpose_lhs_hint = false} : vector<128x16xf32>, vector<16x640xf32>, vector<128x640xf32> -> vector<128x640xf32>
    %add3A_137 = arith.addf %add3A_92, %dot_general3A_136 : vector<128x640xf32>
    %swap3A_138 = arith.constant 0 : index
    %swap3A_139 = arith.constant 256 : index
    %swap3A_140 = arith.constant 0 : index
    %swap3A_141 = vector.load %arg6[%swap3A_138, %swap3A_139, %swap3A_140] : memref<1x2048x640xf32, #tpu.memory_space<vmem>>, vector<1x128x640xf32>
    %swap3A_142 = vector.shape_cast %swap3A_141 : vector<1x128x640xf32> to vector<128x640xf32>
    %swap3A_143 = vector.shape_cast %add3A_137 : vector<128x640xf32> to vector<1x128x640xf32>
    tpu.vector_store %arg6[%swap3A_138, %swap3A_139, %swap3A_140], %swap3A_143 {strides = array<i32>} : memref<1x2048x640xf32, #tpu.memory_space<vmem>>, vector<1x128x640xf32>,
    %get3A_144 = arith.constant 0 : index
    %get3A_145 = arith.constant 3 : index
    %get3A_146 = arith.constant 0 : index
    %get3A_147 = arith.constant 0 : index
    %get3A_148 = vector.load %arg1[%get3A_144, %get3A_145, %get3A_146, %get3A_147] : memref<1x16x128x16xf32, #tpu.memory_space<vmem>>, vector<1x1x128x16xf32>
    %get3A_149 = vector.shape_cast %get3A_148 : vector<1x1x128x16xf32> to vector<128x16xf32>
    %dot_general3A_150 = arith.constant dense<0.000000e+00> : vector<128x640xf32>
    %dot_general3A_151 = tpu.matmul %get3A_149, %convert_element_type3A_100, %dot_general3A_150 {dimension_numbers = #tpu.dot_dimension_numbers<[1], [0], [0], [1], [0, 0, 1, 1], [], []>, transpose_lhs_hint = false} : vector<128x16xf32>, vector<16x640xf32>, vector<128x640xf32> -> vector<128x640xf32>
    %add3A_152 = arith.addf %add3A_92, %dot_general3A_151 : vector<128x640xf32>
    %swap3A_153 = arith.constant 0 : index
    %swap3A_154 = arith.constant 384 : index
    %swap3A_155 = arith.constant 0 : index
    %swap3A_156 = vector.load %arg6[%swap3A_153, %swap3A_154, %swap3A_155] : memref<1x2048x640xf32, #tpu.memory_space<vmem>>, vector<1x128x640xf32>
    %swap3A_157 = vector.shape_cast %swap3A_156 : vector<1x128x640xf32> to vector<128x640xf32>
    %swap3A_158 = vector.shape_cast %add3A_152 : vector<128x640xf32> to vector<1x128x640xf32>
    tpu.vector_store %arg6[%swap3A_153, %swap3A_154, %swap3A_155], %swap3A_158 {strides = array<i32>} : memref<1x2048x640xf32, #tpu.memory_space<vmem>>, vector<1x128x640xf32>,
    %get3A_159 = arith.constant 0 : index
    %get3A_160 = arith.constant 4 : index
    %get3A_161 = arith.constant 0 : index
    %get3A_162 = arith.constant 0 : index
    %get3A_163 = vector.load %arg1[%get3A_159, %get3A_160, %get3A_161, %get3A_162] : memref<1x16x128x16xf32, #tpu.memory_space<vmem>>, vector<1x1x128x16xf32>
    %get3A_164 = vector.shape_cast %get3A_163 : vector<1x1x128x16xf32> to vector<128x16xf32>
    %dot_general3A_165 = arith.constant dense<0.000000e+00> : vector<128x640xf32>
    %dot_general3A_166 = tpu.matmul %get3A_164, %convert_element_type3A_100, %dot_general3A_165 {dimension_numbers = #tpu.dot_dimension_numbers<[1], [0], [0], [1], [0, 0, 1, 1], [], []>, transpose_lhs_hint = false} : vector<128x16xf32>, vector<16x640xf32>, vector<128x640xf32> -> vector<128x640xf32>
    %add3A_167 = arith.addf %add3A_92, %dot_general3A_166 : vector<128x640xf32>
    %swap3A_168 = arith.constant 0 : index
    %swap3A_169 = arith.constant 512 : index
    %swap3A_170 = arith.constant 0 : index
    %swap3A_171 = vector.load %arg6[%swap3A_168, %swap3A_169, %swap3A_170] : memref<1x2048x640xf32, #tpu.memory_space<vmem>>, vector<1x128x640xf32>
    %swap3A_172 = vector.shape_cast %swap3A_171 : vector<1x128x640xf32> to vector<128x640xf32>
    %swap3A_173 = vector.shape_cast %add3A_167 : vector<128x640xf32> to vector<1x128x640xf32>
    tpu.vector_store %arg6[%swap3A_168, %swap3A_169, %swap3A_170], %swap3A_173 {strides = array<i32>} : memref<1x2048x640xf32, #tpu.memory_space<vmem>>, vector<1x128x640xf32>,
    %get3A_174 = arith.constant 0 : index
    %get3A_175 = arith.constant 5 : index
    %get3A_176 = arith.constant 0 : index
    %get3A_177 = arith.constant 0 : index
    %get3A_178 = vector.load %arg1[%get3A_174, %get3A_175, %get3A_176, %get3A_177] : memref<1x16x128x16xf32, #tpu.memory_space<vmem>>, vector<1x1x128x16xf32>
    %get3A_179 = vector.shape_cast %get3A_178 : vector<1x1x128x16xf32> to vector<128x16xf32>
    %dot_general3A_180 = arith.constant dense<0.000000e+00> : vector<128x640xf32>
    %dot_general3A_181 = tpu.matmul %get3A_179, %convert_element_type3A_100, %dot_general3A_180 {dimension_numbers = #tpu.dot_dimension_numbers<[1], [0], [0], [1], [0, 0, 1, 1], [], []>, transpose_lhs_hint = false} : vector<128x16xf32>, vector<16x640xf32>, vector<128x640xf32> -> vector<128x640xf32>
    %add3A_182 = arith.addf %add3A_92, %dot_general3A_181 : vector<128x640xf32>
    %swap3A_183 = arith.constant 0 : index
    %swap3A_184 = arith.constant 640 : index
    %swap3A_185 = arith.constant 0 : index
    %swap3A_186 = vector.load %arg6[%swap3A_183, %swap3A_184, %swap3A_185] : memref<1x2048x640xf32, #tpu.memory_space<vmem>>, vector<1x128x640xf32>
    %swap3A_187 = vector.shape_cast %swap3A_186 : vector<1x128x640xf32> to vector<128x640xf32>
    %swap3A_188 = vector.shape_cast %add3A_182 : vector<128x640xf32> to vector<1x128x640xf32>
    tpu.vector_store %arg6[%swap3A_183, %swap3A_184, %swap3A_185], %swap3A_188 {strides = array<i32>} : memref<1x2048x640xf32, #tpu.memory_space<vmem>>, vector<1x128x640xf32>,
    %get3A_189 = arith.constant 0 : index
    %get3A_190 = arith.constant 6 : index
    %get3A_191 = arith.constant 0 : index
    %get3A_192 = arith.constant 0 : index
    %get3A_193 = vector.load %arg1[%get3A_189, %get3A_190, %get3A_191, %get3A_192] : memref<1x16x128x16xf32, #tpu.memory_space<vmem>>, vector<1x1x128x16xf32>
    %get3A_194 = vector.shape_cast %get3A_193 : vector<1x1x128x16xf32> to vector<128x16xf32>
    %dot_general3A_195 = arith.constant dense<0.000000e+00> : vector<128x640xf32>
    %dot_general3A_196 = tpu.matmul %get3A_194, %convert_element_type3A_100, %dot_general3A_195 {dimension_numbers = #tpu.dot_dimension_numbers<[1], [0], [0], [1], [0, 0, 1, 1], [], []>, transpose_lhs_hint = false} : vector<128x16xf32>, vector<16x640xf32>, vector<128x640xf32> -> vector<128x640xf32>
    %add3A_197 = arith.addf %add3A_92, %dot_general3A_196 : vector<128x640xf32>
    %swap3A_198 = arith.constant 0 : index
    %swap3A_199 = arith.constant 768 : index
    %swap3A_200 = arith.constant 0 : index
    %swap3A_201 = vector.load %arg6[%swap3A_198, %swap3A_199, %swap3A_200] : memref<1x2048x640xf32, #tpu.memory_space<vmem>>, vector<1x128x640xf32>
    %swap3A_202 = vector.shape_cast %swap3A_201 : vector<1x128x640xf32> to vector<128x640xf32>
    %swap3A_203 = vector.shape_cast %add3A_197 : vector<128x640xf32> to vector<1x128x640xf32>
    tpu.vector_store %arg6[%swap3A_198, %swap3A_199, %swap3A_200], %swap3A_203 {strides = array<i32>} : memref<1x2048x640xf32, #tpu.memory_space<vmem>>, vector<1x128x640xf32>,
    %get3A_204 = arith.constant 0 : index
    %get3A_205 = arith.constant 7 : index
    %get3A_206 = arith.constant 0 : index
    %get3A_207 = arith.constant 0 : index
    %get3A_208 = vector.load %arg1[%get3A_204, %get3A_205, %get3A_206, %get3A_207] : memref<1x16x128x16xf32, #tpu.memory_space<vmem>>, vector<1x1x128x16xf32>
    %get3A_209 = vector.shape_cast %get3A_208 : vector<1x1x128x16xf32> to vector<128x16xf32>
    %dot_general3A_210 = arith.constant dense<0.000000e+00> : vector<128x640xf32>
    %dot_general3A_211 = tpu.matmul %get3A_209, %convert_element_type3A_100, %dot_general3A_210 {dimension_numbers = #tpu.dot_dimension_numbers<[1], [0], [0], [1], [0, 0, 1, 1], [], []>, transpose_lhs_hint = false} : vector<128x16xf32>, vector<16x640xf32>, vector<128x640xf32> -> vector<128x640xf32>
    %add3A_212 = arith.addf %add3A_92, %dot_general3A_211 : vector<128x640xf32>
    %swap3A_213 = arith.constant 0 : index
    %swap3A_214 = arith.constant 896 : index
    %swap3A_215 = arith.constant 0 : index
    %swap3A_216 = vector.load %arg6[%swap3A_213, %swap3A_214, %swap3A_215] : memref<1x2048x640xf32, #tpu.memory_space<vmem>>, vector<1x128x640xf32>
    %swap3A_217 = vector.shape_cast %swap3A_216 : vector<1x128x640xf32> to vector<128x640xf32>
    %swap3A_218 = vector.shape_cast %add3A_212 : vector<128x640xf32> to vector<1x128x640xf32>
    tpu.vector_store %arg6[%swap3A_213, %swap3A_214, %swap3A_215], %swap3A_218 {strides = array<i32>} : memref<1x2048x640xf32, #tpu.memory_space<vmem>>, vector<1x128x640xf32>,
    %get3A_219 = arith.constant 0 : index
    %get3A_220 = arith.constant 8 : index
    %get3A_221 = arith.constant 0 : index
    %get3A_222 = arith.constant 0 : index
    %get3A_223 = vector.load %arg1[%get3A_219, %get3A_220, %get3A_221, %get3A_222] : memref<1x16x128x16xf32, #tpu.memory_space<vmem>>, vector<1x1x128x16xf32>
    %get3A_224 = vector.shape_cast %get3A_223 : vector<1x1x128x16xf32> to vector<128x16xf32>
    %dot_general3A_225 = arith.constant dense<0.000000e+00> : vector<128x640xf32>
    %dot_general3A_226 = tpu.matmul %get3A_224, %convert_element_type3A_100, %dot_general3A_225 {dimension_numbers = #tpu.dot_dimension_numbers<[1], [0], [0], [1], [0, 0, 1, 1], [], []>, transpose_lhs_hint = false} : vector<128x16xf32>, vector<16x640xf32>, vector<128x640xf32> -> vector<128x640xf32>
    %add3A_227 = arith.addf %add3A_92, %dot_general3A_226 : vector<128x640xf32>
    %swap3A_228 = arith.constant 0 : index
    %swap3A_229 = arith.constant 1024 : index
    %swap3A_230 = arith.constant 0 : index
    %swap3A_231 = vector.load %arg6[%swap3A_228, %swap3A_229, %swap3A_230] : memref<1x2048x640xf32, #tpu.memory_space<vmem>>, vector<1x128x640xf32>
    %swap3A_232 = vector.shape_cast %swap3A_231 : vector<1x128x640xf32> to vector<128x640xf32>
    %swap3A_233 = vector.shape_cast %add3A_227 : vector<128x640xf32> to vector<1x128x640xf32>
    tpu.vector_store %arg6[%swap3A_228, %swap3A_229, %swap3A_230], %swap3A_233 {strides = array<i32>} : memref<1x2048x640xf32, #tpu.memory_space<vmem>>, vector<1x128x640xf32>,
    %get3A_234 = arith.constant 0 : index
    %get3A_235 = arith.constant 9 : index
    %get3A_236 = arith.constant 0 : index
    %get3A_237 = arith.constant 0 : index
    %get3A_238 = vector.load %arg1[%get3A_234, %get3A_235, %get3A_236, %get3A_237] : memref<1x16x128x16xf32, #tpu.memory_space<vmem>>, vector<1x1x128x16xf32>
    %get3A_239 = vector.shape_cast %get3A_238 : vector<1x1x128x16xf32> to vector<128x16xf32>
    %dot_general3A_240 = arith.constant dense<0.000000e+00> : vector<128x640xf32>
    %dot_general3A_241 = tpu.matmul %get3A_239, %convert_element_type3A_100, %dot_general3A_240 {dimension_numbers = #tpu.dot_dimension_numbers<[1], [0], [0], [1], [0, 0, 1, 1], [], []>, transpose_lhs_hint = false} : vector<128x16xf32>, vector<16x640xf32>, vector<128x640xf32> -> vector<128x640xf32>
    %add3A_242 = arith.addf %add3A_92, %dot_general3A_241 : vector<128x640xf32>
    %swap3A_243 = arith.constant 0 : index
    %swap3A_244 = arith.constant 1152 : index
    %swap3A_245 = arith.constant 0 : index
    %swap3A_246 = vector.load %arg6[%swap3A_243, %swap3A_244, %swap3A_245] : memref<1x2048x640xf32, #tpu.memory_space<vmem>>, vector<1x128x640xf32>
    %swap3A_247 = vector.shape_cast %swap3A_246 : vector<1x128x640xf32> to vector<128x640xf32>
    %swap3A_248 = vector.shape_cast %add3A_242 : vector<128x640xf32> to vector<1x128x640xf32>
    tpu.vector_store %arg6[%swap3A_243, %swap3A_244, %swap3A_245], %swap3A_248 {strides = array<i32>} : memref<1x2048x640xf32, #tpu.memory_space<vmem>>, vector<1x128x640xf32>,
    %get3A_249 = arith.constant 0 : index
    %get3A_250 = arith.constant 10 : index
    %get3A_251 = arith.constant 0 : index
    %get3A_252 = arith.constant 0 : index
    %get3A_253 = vector.load %arg1[%get3A_249, %get3A_250, %get3A_251, %get3A_252] : memref<1x16x128x16xf32, #tpu.memory_space<vmem>>, vector<1x1x128x16xf32>
    %get3A_254 = vector.shape_cast %get3A_253 : vector<1x1x128x16xf32> to vector<128x16xf32>
    %dot_general3A_255 = arith.constant dense<0.000000e+00> : vector<128x640xf32>
    %dot_general3A_256 = tpu.matmul %get3A_254, %convert_element_type3A_100, %dot_general3A_255 {dimension_numbers = #tpu.dot_dimension_numbers<[1], [0], [0], [1], [0, 0, 1, 1], [], []>, transpose_lhs_hint = false} : vector<128x16xf32>, vector<16x640xf32>, vector<128x640xf32> -> vector<128x640xf32>
    %add3A_257 = arith.addf %add3A_92, %dot_general3A_256 : vector<128x640xf32>
    %swap3A_258 = arith.constant 0 : index
    %swap3A_259 = arith.constant 1280 : index
    %swap3A_260 = arith.constant 0 : index
    %swap3A_261 = vector.load %arg6[%swap3A_258, %swap3A_259, %swap3A_260] : memref<1x2048x640xf32, #tpu.memory_space<vmem>>, vector<1x128x640xf32>
    %swap3A_262 = vector.shape_cast %swap3A_261 : vector<1x128x640xf32> to vector<128x640xf32>
    %swap3A_263 = vector.shape_cast %add3A_257 : vector<128x640xf32> to vector<1x128x640xf32>
    tpu.vector_store %arg6[%swap3A_258, %swap3A_259, %swap3A_260], %swap3A_263 {strides = array<i32>} : memref<1x2048x640xf32, #tpu.memory_space<vmem>>, vector<1x128x640xf32>,
    %get3A_264 = arith.constant 0 : index
    %get3A_265 = arith.constant 11 : index
    %get3A_266 = arith.constant 0 : index
    %get3A_267 = arith.constant 0 : index
    %get3A_268 = vector.load %arg1[%get3A_264, %get3A_265, %get3A_266, %get3A_267] : memref<1x16x128x16xf32, #tpu.memory_space<vmem>>, vector<1x1x128x16xf32>
    %get3A_269 = vector.shape_cast %get3A_268 : vector<1x1x128x16xf32> to vector<128x16xf32>
    %dot_general3A_270 = arith.constant dense<0.000000e+00> : vector<128x640xf32>
    %dot_general3A_271 = tpu.matmul %get3A_269, %convert_element_type3A_100, %dot_general3A_270 {dimension_numbers = #tpu.dot_dimension_numbers<[1], [0], [0], [1], [0, 0, 1, 1], [], []>, transpose_lhs_hint = false} : vector<128x16xf32>, vector<16x640xf32>, vector<128x640xf32> -> vector<128x640xf32>
    %add3A_272 = arith.addf %add3A_92, %dot_general3A_271 : vector<128x640xf32>
    %swap3A_273 = arith.constant 0 : index
    %swap3A_274 = arith.constant 1408 : index
    %swap3A_275 = arith.constant 0 : index
    %swap3A_276 = vector.load %arg6[%swap3A_273, %swap3A_274, %swap3A_275] : memref<1x2048x640xf32, #tpu.memory_space<vmem>>, vector<1x128x640xf32>
    %swap3A_277 = vector.shape_cast %swap3A_276 : vector<1x128x640xf32> to vector<128x640xf32>
    %swap3A_278 = vector.shape_cast %add3A_272 : vector<128x640xf32> to vector<1x128x640xf32>
    tpu.vector_store %arg6[%swap3A_273, %swap3A_274, %swap3A_275], %swap3A_278 {strides = array<i32>} : memref<1x2048x640xf32, #tpu.memory_space<vmem>>, vector<1x128x640xf32>,
    %get3A_279 = arith.constant 0 : index
    %get3A_280 = arith.constant 12 : index
    %get3A_281 = arith.constant 0 : index
    %get3A_282 = arith.constant 0 : index
    %get3A_283 = vector.load %arg1[%get3A_279, %get3A_280, %get3A_281, %get3A_282] : memref<1x16x128x16xf32, #tpu.memory_space<vmem>>, vector<1x1x128x16xf32>
    %get3A_284 = vector.shape_cast %get3A_283 : vector<1x1x128x16xf32> to vector<128x16xf32>
    %dot_general3A_285 = arith.constant dense<0.000000e+00> : vector<128x640xf32>
    %dot_general3A_286 = tpu.matmul %get3A_284, %convert_element_type3A_100, %dot_general3A_285 {dimension_numbers = #tpu.dot_dimension_numbers<[1], [0], [0], [1], [0, 0, 1, 1], [], []>, transpose_lhs_hint = false} : vector<128x16xf32>, vector<16x640xf32>, vector<128x640xf32> -> vector<128x640xf32>
    %add3A_287 = arith.addf %add3A_92, %dot_general3A_286 : vector<128x640xf32>
    %swap3A_288 = arith.constant 0 : index
    %swap3A_289 = arith.constant 1536 : index
    %swap3A_290 = arith.constant 0 : index
    %swap3A_291 = vector.load %arg6[%swap3A_288, %swap3A_289, %swap3A_290] : memref<1x2048x640xf32, #tpu.memory_space<vmem>>, vector<1x128x640xf32>
    %swap3A_292 = vector.shape_cast %swap3A_291 : vector<1x128x640xf32> to vector<128x640xf32>
    %swap3A_293 = vector.shape_cast %add3A_287 : vector<128x640xf32> to vector<1x128x640xf32>
    tpu.vector_store %arg6[%swap3A_288, %swap3A_289, %swap3A_290], %swap3A_293 {strides = array<i32>} : memref<1x2048x640xf32, #tpu.memory_space<vmem>>, vector<1x128x640xf32>,
    %get3A_294 = arith.constant 0 : index
    %get3A_295 = arith.constant 13 : index
    %get3A_296 = arith.constant 0 : index
    %get3A_297 = arith.constant 0 : index
    %get3A_298 = vector.load %arg1[%get3A_294, %get3A_295, %get3A_296, %get3A_297] : memref<1x16x128x16xf32, #tpu.memory_space<vmem>>, vector<1x1x128x16xf32>
    %get3A_299 = vector.shape_cast %get3A_298 : vector<1x1x128x16xf32> to vector<128x16xf32>
    %dot_general3A_300 = arith.constant dense<0.000000e+00> : vector<128x640xf32>
    %dot_general3A_301 = tpu.matmul %get3A_299, %convert_element_type3A_100, %dot_general3A_300 {dimension_numbers = #tpu.dot_dimension_numbers<[1], [0], [0], [1], [0, 0, 1, 1], [], []>, transpose_lhs_hint = false} : vector<128x16xf32>, vector<16x640xf32>, vector<128x640xf32> -> vector<128x640xf32>
    %add3A_302 = arith.addf %add3A_92, %dot_general3A_301 : vector<128x640xf32>
    %swap3A_303 = arith.constant 0 : index
    %swap3A_304 = arith.constant 1664 : index
    %swap3A_305 = arith.constant 0 : index
    %swap3A_306 = vector.load %arg6[%swap3A_303, %swap3A_304, %swap3A_305] : memref<1x2048x640xf32, #tpu.memory_space<vmem>>, vector<1x128x640xf32>
    %swap3A_307 = vector.shape_cast %swap3A_306 : vector<1x128x640xf32> to vector<128x640xf32>
    %swap3A_308 = vector.shape_cast %add3A_302 : vector<128x640xf32> to vector<1x128x640xf32>
    tpu.vector_store %arg6[%swap3A_303, %swap3A_304, %swap3A_305], %swap3A_308 {strides = array<i32>} : memref<1x2048x640xf32, #tpu.memory_space<vmem>>, vector<1x128x640xf32>,
    %get3A_309 = arith.constant 0 : index
    %get3A_310 = arith.constant 14 : index
    %get3A_311 = arith.constant 0 : index
    %get3A_312 = arith.constant 0 : index
    %get3A_313 = vector.load %arg1[%get3A_309, %get3A_310, %get3A_311, %get3A_312] : memref<1x16x128x16xf32, #tpu.memory_space<vmem>>, vector<1x1x128x16xf32>
    %get3A_314 = vector.shape_cast %get3A_313 : vector<1x1x128x16xf32> to vector<128x16xf32>
    %dot_general3A_315 = arith.constant dense<0.000000e+00> : vector<128x640xf32>
    %dot_general3A_316 = tpu.matmul %get3A_314, %convert_element_type3A_100, %dot_general3A_315 {dimension_numbers = #tpu.dot_dimension_numbers<[1], [0], [0], [1], [0, 0, 1, 1], [], []>, transpose_lhs_hint = false} : vector<128x16xf32>, vector<16x640xf32>, vector<128x640xf32> -> vector<128x640xf32>
    %add3A_317 = arith.addf %add3A_92, %dot_general3A_316 : vector<128x640xf32>
    %swap3A_318 = arith.constant 0 : index
    %swap3A_319 = arith.constant 1792 : index
    %swap3A_320 = arith.constant 0 : index
    %swap3A_321 = vector.load %arg6[%swap3A_318, %swap3A_319, %swap3A_320] : memref<1x2048x640xf32, #tpu.memory_space<vmem>>, vector<1x128x640xf32>
    %swap3A_322 = vector.shape_cast %swap3A_321 : vector<1x128x640xf32> to vector<128x640xf32>
    %swap3A_323 = vector.shape_cast %add3A_317 : vector<128x640xf32> to vector<1x128x640xf32>
    tpu.vector_store %arg6[%swap3A_318, %swap3A_319, %swap3A_320], %swap3A_323 {strides = array<i32>} : memref<1x2048x640xf32, #tpu.memory_space<vmem>>, vector<1x128x640xf32>,
    %get3A_324 = arith.constant 0 : index
    %get3A_325 = arith.constant 15 : index
    %get3A_326 = arith.constant 0 : index
    %get3A_327 = arith.constant 0 : index
    %get3A_328 = vector.load %arg1[%get3A_324, %get3A_325, %get3A_326, %get3A_327] : memref<1x16x128x16xf32, #tpu.memory_space<vmem>>, vector<1x1x128x16xf32>
    %get3A_329 = vector.shape_cast %get3A_328 : vector<1x1x128x16xf32> to vector<128x16xf32>
    %dot_general3A_330 = arith.constant dense<0.000000e+00> : vector<128x640xf32>
    %dot_general3A_331 = tpu.matmul %get3A_329, %convert_element_type3A_100, %dot_general3A_330 {dimension_numbers = #tpu.dot_dimension_numbers<[1], [0], [0], [1], [0, 0, 1, 1], [], []>, transpose_lhs_hint = false} : vector<128x16xf32>, vector<16x640xf32>, vector<128x640xf32> -> vector<128x640xf32>
    %add3A_332 = arith.addf %add3A_92, %dot_general3A_331 : vector<128x640xf32>
    %swap3A_333 = arith.constant 0 : index
    %swap3A_334 = arith.constant 1920 : index
    %swap3A_335 = arith.constant 0 : index
    %swap3A_336 = vector.load %arg6[%swap3A_333, %swap3A_334, %swap3A_335] : memref<1x2048x640xf32, #tpu.memory_space<vmem>>, vector<1x128x640xf32>
    %swap3A_337 = vector.shape_cast %swap3A_336 : vector<1x128x640xf32> to vector<128x640xf32>
    %swap3A_338 = vector.shape_cast %add3A_332 : vector<128x640xf32> to vector<1x128x640xf32>
    tpu.vector_store %arg6[%swap3A_333, %swap3A_334, %swap3A_335], %swap3A_338 {strides = array<i32>} : memref<1x2048x640xf32, #tpu.memory_space<vmem>>, vector<1x128x640xf32>,
    %eq3A_339 = arith.constant 0 : i32
    %eq3A_340 = arith.cmpi eq, %arg0, %eq3A_339 : i32
    %convert_element_type3A_341 = arith.extui %eq3A_340 : i1 to i32
    %cond3A = arith.constant 0 : i32
    %cond3A_342 = arith.cmpi ne, %convert_element_type3A_341, %cond3A : i32
    scf.if %cond3A_342 {
      %iota3A_343 = tpu.iota {dimensions = array<i32: 1>} : vector<8x32768xi32>
      %jit3A_344 = arith.constant 2048 : i32
      %div3A = vector.broadcast %jit3A_344 : i32 to vector<8x32768xi32>
      %div3A_345 = arith.divsi %iota3A_343, %div3A : vector<8x32768xi32>
      %sign3A = arith.constant 0 : i32
      %sign3A_346 = vector.broadcast %sign3A : i32 to vector<8x32768xi32>
      %sign3A_347 = arith.cmpi sgt, %iota3A_343, %sign3A_346 : vector<8x32768xi32>
      %sign3A_348 = arith.extui %sign3A_347 : vector<8x32768xi1> to vector<8x32768xi32>
      %sign3A_349 = arith.constant 0 : i32
      %sign3A_350 = vector.broadcast %sign3A_349 : i32 to vector<8x32768xi32>
      %sign3A_351 = arith.cmpi slt, %iota3A_343, %sign3A_350 : vector<8x32768xi32>
      %sign3A_352 = arith.extui %sign3A_351 : vector<8x32768xi1> to vector<8x32768xi32>
      %sign3A_353 = arith.subi %sign3A_348, %sign3A_352 : vector<8x32768xi32>
      %sign3A_354 = arith.constant 0 : i32
      %sign3A_355 = arith.cmpi sgt, %jit3A_344, %sign3A_354 : i32
      %sign3A_356 = arith.extui %sign3A_355 : i1 to i32
      %sign3A_357 = arith.constant 0 : i32
      %sign3A_358 = arith.cmpi slt, %jit3A_344, %sign3A_357 : i32
      %sign3A_359 = arith.extui %sign3A_358 : i1 to i32
      %sign3A_360 = arith.subi %sign3A_356, %sign3A_359 : i32
      %ne3A_361 = vector.broadcast %sign3A_360 : i32 to vector<8x32768xi32>
      %ne3A_362 = arith.cmpi ne, %sign3A_353, %ne3A_361 : vector<8x32768xi32>
      %rem3A_363 = vector.broadcast %jit3A_344 : i32 to vector<8x32768xi32>
      %rem3A_364 = arith.remsi %iota3A_343, %rem3A_363 : vector<8x32768xi32>
      %ne3A_365 = arith.constant 0 : i32
      %ne3A_366 = vector.broadcast %ne3A_365 : i32 to vector<8x32768xi32>
      %ne3A_367 = arith.cmpi ne, %rem3A_364, %ne3A_366 : vector<8x32768xi32>
      %and3A_368 = arith.andi %ne3A_362, %ne3A_367 : vector<8x32768xi1>
      %sub3A_369 = arith.constant 1 : i32
      %sub3A_370 = vector.broadcast %sub3A_369 : i32 to vector<8x32768xi32>
      %sub3A_371 = arith.subi %div3A_345, %sub3A_370 : vector<8x32768xi32>
      %select_n3A_372 = arith.select %and3A_368, %sub3A_371, %div3A_345 : vector<8x32768xi1>, vector<8x32768xi32>
      %swap3A_373 = arith.constant 0 : index
      %swap3A_374 = arith.constant 0 : index
      %swap3A_375 = vector.load %arg7[%swap3A_373, %swap3A_374] : memref<8x32768xi32, #tpu.memory_space<vmem>>, vector<8x32768xi32>
      tpu.vector_store %arg7[%swap3A_373, %swap3A_374], %select_n3A_372 {strides = array<i32>} : memref<8x32768xi32, #tpu.memory_space<vmem>>, vector<8x32768xi32>,
    } else {
    }
    return
  }
  func.func @transform_0(%arg0: i32) -> (i32, i32, i32, i32) {
    %c0_i32 = arith.constant 0 : i32
    %c0_i32_0 = arith.constant 0 : i32
    %c0_i32_1 = arith.constant 0 : i32
    %c0_i32_2 = arith.constant 0 : i32
    return %arg0, %c0_i32, %c0_i32_0, %c0_i32_1 : i32, i32, i32, i32
  }
  func.func @transform_1(%arg0: i32) -> (i32, i32, i32) {
    %c0_i32 = arith.constant 0 : i32
    %c0_i32_0 = arith.constant 0 : i32
    %c0_i32_1 = arith.constant 0 : i32
    return %arg0, %c0_i32, %c0_i32_0 : i32, i32, i32
  }
  func.func @transform_2(%arg0: i32) -> (i32, i32) {
    %c0_i32 = arith.constant 0 : i32
    %c0_i32_0 = arith.constant 0 : i32
    %c0_i32_1 = arith.constant 0 : i32
    return %c0_i32, %c0_i32_0 : i32, i32
  }
  func.func @transform_3(%arg0: i32) -> (i32, i32) {
    %c0_i32 = arith.constant 0 : i32
    %c0_i32_0 = arith.constant 0 : i32
    %c0_i32_1 = arith.constant 0 : i32
    return %c0_i32, %c0_i32_0 : i32, i32
  }
  func.func @transform_4(%arg0: i32) -> (i32, i32) {
    %c0_i32 = arith.constant 0 : i32
    %c0_i32_0 = arith.constant 0 : i32
    %c0_i32_1 = arith.constant 0 : i32
    return %c0_i32, %c0_i32_0 : i32, i32
  }
  func.func @transform_5(%arg0: i32) -> (i32, i32, i32) {
    %c0_i32 = arith.constant 0 : i32
    %c0_i32_0 = arith.constant 0 : i32
    %c0_i32_1 = arith.constant 0 : i32
    return %arg0, %c0_i32, %c0_i32_0 : i32, i32, i32
  }
  func.func @transform_6(%arg0: i32) -> (i32, i32) {
    %c0_i32 = arith.constant 0 : i32
    %c0_i32_0 = arith.constant 0 : i32
    %c0_i32_1 = arith.constant 0 : i32
    return %c0_i32, %c0_i32_0 : i32, i32
  }
}

</mosaic_0001>

<sc_bundles>
// kernel: sparse-core-data-format-call.cloned.1.call-start
scs
called_computation_lowered:
.L_overlay_start_0:
0x0: {  	s2 =	sld [smem:$0x3FD9]  }
0x1: {  	s3 =	sld [smem:$0x3FFE];
	_ =	sdelay $0x1  }
0x2: {  	s1 =	srdreg.scid  }
0x3: {  	s0 =	sand.u32 $0x1, s1  }
0x4: {  	s15 =	sshll.u32 s0, $0xA;
	s2 =	sadd.s32 s3, s2  }
0x5: {  	s2 =	sadd.s32 s2, s15  }
0x6: {  	[smem:$0x3FC1] =	sst s2  }
0x7: {  	_ = 	snop  }
0x8: {  	s2 =	sld [smem:$0x3FD0];
	_ =	sdelay $0x2  }
0x9: {  	s16 =	simm.s32 $0xA;
	s4 =	simm.s32 $0x10  }
0xa: {  	[smem:s4], [sflag:s16] =	dma.local [hbm:s2], $0x1  }
0xb: {  	_ =	swait.eq [sflag:s16], $0x1  }
0xc: {  	[sflag:s16] =	ssyncset.done $0x0  }
0xd: {  	[sflag:s16] =	ssyncadd.s32 $0xFFFFFFFF  }
0xe: {  	s17 =	sld [smem:$0x10];
	(tm) =	ssettm $0x1  }
0xf: {  	s18 =	sld [smem:$0x3FFB];
	_ =	sdelay $0x3  }
0x10: {  	_ =	strace s18  }
0x11: {  	s3 =	sld [smem:$0x3FFC];
	_ =	sdelay $0x3  }
0x12: {  	_ =	strace s3  }
0x13: {  	s3 =	sld [smem:$0x3FFD];
	_ =	sdelay $0x3  }
0x14: {  	_ =	strace s3  }
0x15: {  	_ =	strace $0x8FFFFFFF  }
0x16: {  	s19 =	sld [smem:$0x3FDB];
	_ =	sdelay $0x1  }
0x17: {  	s20 =	simm.s32 $_scs_section_size  }
0x18: {  	s5 =	simm.s32 $_size__tile_overlayer_lowered;
	s6 =	simm.s32 $_tile_overlayer_lowered  }
0x19: {  	s23 =	simm.s32 $0x1BFF;
	s22 =	sshll.u32 s6, $0x1;
	s3 =	sadd.s32 s20, s19  }
0x1a: {  	s7 =	simm.s32 $0x0;
	s21 =	sshll.u32 s5, $0x1;
	s5 =	sadd.s32 s22, s3  }
0x1b: {  	[timem:s7], [sflag:s23] =	dma.local [hbm:s5], s21  }
0x1c: {  	_ =	swait.ge [sflag:s23], s21  }
0x1d: {  	s4 =	ssub.s32 $0x0, s21;
	[sflag:s23] =	ssyncset.done $0x0  }
0x1e: {  	[sflag:s23] =	ssyncadd.s32 s4;
	_ =	sdelay $0x1  }
0x1f: {  	s24 =	simm.s32 $0x1B8B  }
0x20: {  	_ =	swait.ge [sflag:s24], $0x1  }
0x21: {  	[sflag:s24] =	ssyncset.done $0x0  }
0x22: {  	s26 =	simm.s32 $0x1B8E;
	s25 =	sld [smem:$0x3FFE];
	[sflag:s24] =	ssyncadd.s32 $0xFFFFFFFF  }
0x23: {  	s27 =	simm.s32 $execute0_lowered;
	[smem:$0x3FD2] =	sst s26  }
0x24: {  	s5 =	sshll.u32 s27, $0x1;
	_ =	strace $0x80000046;
	[dreg:$0x1] =	wrdreg $0xFFFFFFFF  }
0x25: {  	s28 =	simm.s32 $_size_execute0_lowered;
	s3 =	sadd.s32 s3, s5;
	[dreg:$0x0] =	wrdreg $0x0  }
0x26: {  	s5 =	sshll.u32 s28, $0x1;
	[dreg:$0x2] =	wrdreg s3  }
0x27: {  	[dreg:$0x3] =	wrdreg s5  }
0x28: {  	[dreg:$0x4] =	wrdreg $0xC0  }
0x29: {  	_ =	task [dreg:s7], $0x5FFFF  }
0x2a: {  	[dreg:$0x1] =	wrdreg $0xFFFFFFFF  }
0x2b: {  	[dreg:$0x0] =	wrdreg $0x60  }
0x2c: {  	[dreg:$0x2] =	wrdreg s25  }
0x2d: {  	[dreg:$0x3] =	wrdreg s17  }
0x2e: {  	[dreg:$0x4] =	wrdreg $0x9  }
0x2f: {  	_ =	task.clear_ibuf [dreg:s7], $0x5FFFF;
	_ =	strace $0x90000046  }
0x30: {  	s29 =	simm.s32 $0x9;
	_ =	strace $0x80000048  }
0x31: {  	_ =	swait.ge [sflag:s29], $0x1  }
0x32: {  	[sflag:s29] =	ssyncadd.s32 $0xFFFFFFFF  }
0x33: {  	_ =	strace $0x90000048  }
0x34: {  	_ =	sfence  }
0x35: {  	s30 =	sld [smem:$0x0];
	_ =	sdelay $0x2  }
0x36: {  	s31 =	sshll.u32 s1, $0xD;
	s1 =	sshrl.u32 s1, $0x2  }
0x37: {  	s3 =	sand.u32 $0x4000, s31;
	s1 =	sadd.s32 s1, s30  }
0x38: {  	s0 =	sor.u32 s3, s0;
	s1 =	sshll.u32 s1, $0x11  }
0x39: {  	s0 =	sor.u32 s1, s0  }
0x3a: {  	s0 =	sadd.s32 $0x8F2B, s0  }
0x3b: {  	[sflag:s0] =	ssyncadd.remote.s32 $0x1  }
0x3c: {  	_ =	sfence.sel $0xFFFF  }
0x3d: {  	[dreg:$0x0] =	wrdreg $0xFFFFFFFF;
	(pc) =	sbr.abs _section_cstart, $3  }
0x3e: {  	[dreg:$0x1] =	wrdreg $0xFFFFFFFF  }
0x3f: {  	_ =	task.clear_ibuf [dreg:s7], $0x2FFFF;
	_ =	strace $0x9FFFFFFF  }
0x40: {  	(tm) =	ssettm $0x7FFFFFFF  }
0x41: {  	_ =	shalt  }
tec
execute0_lowered:
.L_overlay_start_1:
0x0: {  	(tag) =	ssettag $0x1  }
0x1: {  	s0 =	stileid.u32  }
0x2: {  	s1 =	srdreg.scid;
	s4 =	rddreg [dreg:$0x0];
	s8 =	simm.s32 $0x1  }
0x3: {  	s9 =	simm.s32 $0x2;
	s15 =	simm.s32 $0x0;
	s16 =	simm.s32 $0x0  }
0x4: {  	s10 =	simm.s32 $0x0;
	s2 =	sshll.u32 s0, $0x4;
	s1 =	sshll.u32 s1, $0x8  }
0x5: {  	s11 =	simm.s32 $0x0;
	s14 =	simm.s32 $0x0;
	s1 =	sor.u32 s2, s1  }
0x6: {  	s4 =	sadd.s32 $0x1000, s4;
	s5 =	sand.u32 $0x7, s0;
	s3 =	sand.u32 $0x180, s1  }
0x7: {  	s2 =	rddreg [dreg:$0x1];
	s13 =	smov.u32 s5;
	s7 =	ssub.s32 $0x8000, s3  }
.Ltmp0:
0x8: {  	s1 =	rddreg [dreg:$0x2];
	s6 =	sand.u32 $0x180, s7;
	(pc) =	sbr.rel .LBB1_1-.Ltmp0, $4  }
0x9: {  	_ =	strace $0x80000047;
	s12 =	smov.u32 s3;
	p0 =	sne.s32 s6, $0x0  }
0xa: {  	s7 =	sshrl.u32 s7, $0x9;
	s6 =	simm.s32 $0x1;
	s8 =	simm.s32 @!p0 $0x0  }
0xb: {  	[sflag:s6] =	ssyncpa.u1 $0x0;
	p0 =	por $0x0, $0x0;
	s7 =	sadd.s32 s8, s7  }
0xc: {  	[sflag:s9] =	ssyncpa.u1 $0x0;
	s9 =	simm.s32 $0x40000;
	s8 =	sadd.s32 $0x1, s7  }
.LBB1_4:
0xd: {  	s19 =	sshll.u32 s10, $0x3  }
0xe: {  	p1 =	sgt.s32 s11, $0x7;
	s20 =	smov.u32 s11;
	s22 =	sshra.s32 s11, $0x1F  }
0xf: {  	s23 =	smov.u32 s10;
	s24 =	sshra.s32 s10, $0x1F;
	s31 =	sand.u32 $0x78, s10  }
0x10: {  	s27 =	smul.u32 $0x28000, s11;
	s28 =	sand.u32 $0x7, s10;
	s21 =	sshrl.u32 s19, $0xF  }
0x11: {  	s20 =	simm.s32 @!p1 $0x7;
	s22 =	sand.u32 s22, s11;
	p1 =	sgt.s32 s10, $0x7F80  }
0x12: {  	s29 =	sand.u32 s24, s10;
	s19 =	sand.u32 $0x7C00, s19;
	s20 =	ssub.s32 s20, s22  }
0x13: {  	s23 =	simm.s32 @!p1 $0x7F80;
	s30 =	smulhi.u32 $0x6666667, s21;
	s25 =	ssub.s32 $0x8, s20  }
0x14: {  	s22 =	ssub.s32 s23, s29;
	s20 =	sadd.s32 $0xFFFFFFF9, s20;
	s25 =	smul.u32 $0x28, s25  }
0x15: {  	s24 =	smul.u32 $0x28, s30;
	p1 =	sgt.s32 s20, $0x0;
	s26 =	sadd.s32 $0xFFFF8080, s22  }
0x16: {  	s20 =	ssub.s32 $0x8000, s22;
	s25 =	simm.s32 @p1 $0x0;
	p1 =	sgt.s32 s26, $0x7F  }
0x17: {  	s19 =	sor.u32 s31, s19;
	s21 =	ssub.s32 s21, s24;
	s20 =	simm.s32 @p1 $0x0  }
0x18: {  	[tilespmem:s18+$0x810 ss:$0x81] =	vst.msk $0xffff, v2;
	s22 =	sadd.s32 s2, s27;
	s21 =	sshll.u32 s21, $0xC;
	s20 =	smul.u32 s20, s25  }
0x19: {  	[tilespmem:s18+$0x1020 ss:$0x81] =	vst.msk $0xffff, v0;
	s19 =	sshrl.u32 s19, $0x3;
	s29 =	sshll.u32 s28, $0x12;
	s21 =	sadd.s32 s21, s22  }
0x1a: {  	[tilespmem:s18+$0x0 ss:$0x81] =	vst.msk $0xffff, v1;
	s31 =	sor.u32 $0x400, s29;
	s19 =	sadd.s32 s19, s21;
	s30 =	sand.u32 $0x3FFFFFF8, s20  }
0x1b: {  	[hbm4b:s19+s31] =	stream.strided.scatter [tilespmem:s17], [sflag:$0x2], s30, s9, s31, $0x20;
	[tilespmem:$0x8080] =	vst v63  }
.LBB1_5:
0x1c: {  	p1 =	slt.u32 s14, $0x2  }
0x1d: {  	s18 =	smov.u32 s16;
	p2 =	sgt.s32 @!p1 s16, $0x7;
	s17 =	sshra.s32 @!p1 s16, $0x1F  }
0x1e: {  	p3 =	sgt.s32 @!p1 s15, $0x7F80;
	s19 =	sshra.s32 @!p1 s15, $0x1F;
	p2 =	por !p2, p1  }
0x1f: {  	s16 =	sand.u32 @!p1 s17, s16;
	p3 =	por !p3, p1;
	s17 =	smov.u32 s15  }
0x20: {  	s15 =	sand.u32 @!p1 s19, s15;
	s18 =	simm.s32 @p2 $0x7;
	s17 =	simm.s32 @p3 $0x7F80  }
0x21: {  	s19 =	smov.u32 s13;
	s16 =	ssub.s32 @!p1 s18, s16;
	s15 =	ssub.s32 @!p1 s17, s15  }
0x22: {  	s17 =	sadd.s32 @!p1 $0xFFFFFFF9, s16;
	s16 =	ssub.s32 @!p1 $0x8, s16;
	s18 =	sadd.s32 @!p1 $0xFFFF8080, s15  }
0x23: {  	p2 =	sgt.s32 @!p1 s17, $0x0;
	s16 =	smul.u32 @!p1 $0x28, s16;
	p3 =	sgt.s32 @!p1 s18, $0x7F  }
0x24: {  	s15 =	ssub.s32 @!p1 $0x8000, s15;
	p2 =	por !p2, p1;
	p3 =	por !p3, p1  }
0x25: {  	s17 =	sadd.s32 $0x200, s12;
	s16 =	simm.s32 @!p2 $0x0;
	s15 =	simm.s32 @!p3 $0x0  }
0x26: {  	p2 =	sgt.s32 s17, $0x7FFF;
	s15 =	smul.u32 @!p1 s15, s16;
	s16 =	sadd.s32 $0x8, s13  }
0x27: {  	s19 =	smov.u32 @p2 s16  }
0x28: {  	s17 =	smov.u32 @p2 s3;
	p2 =	sgt.s32 s19, $0x7  }
0x29: {  	s19 =	smov.u32 @p2 s5;
	p2 =	sne.s32 s14, s8  }
.Ltmp1:
0x2a: {  	p0 =	por !p0, !p0;
	s18 =	simm.s32 @!p1 $0x2;
	(pc) =	sbr.rel @!p2 .LBB1_6-.Ltmp1, $4  }
0x2b: {  	s16 =	smov.u32 s11;
	s11 =	smov.u32 s13;
	s15 =	sand.u32 @!p1 $0x3FFFFFF8, s15  }
0x2c: {  	_ =	swait.ge @!p1 [sflag:s18], s15;
	s20 =	ssub.s32 @!p1 $0x0, s15;
	s15 =	smov.u32 s10  }
0x2d: {  	s14 =	sadd.s32 $0x1, s14;
	s10 =	smov.u32 s12;
	[sflag:s18] =	ssyncset.done @!p1 $0x0  }
0x2e: {  	s12 =	smov.u32 s17;
	s13 =	smov.u32 s19;
	[sflag:s18] =	ssyncadd.s32 @!p1 s20  }
.LBB1_1:
0x2f: {  	p1 =	sge.u32 s14, s7  }
0x30: {  	s31 =	sadd.s32 $0xFFFFFFFF, s14;
	s17 =	sxor.u32 @!p1 $0xFFFFFFFF, s14  }
0x31: {  	s18 =	sshll.u32 @!p1 s13, $0x13;
	s19 =	sshll.u32 @!p1 s12, $0x4;
	s20 =	simm.s32 @!p1 $0x80  }
0x32: {  	s17 =	sshll.u32 @!p1 s17, $0xD;
	s19 =	sand.u32 @!p1 $0x7FFF0, s19;
	s18 =	sadd.s32 @!p1 s4, s18  }
0x33: {  	s17 =	sand.u32 @!p1 $0x2000, s17;
	s18 =	sadd.s32 @!p1 s19, s18;
	s19 =	simm.s32 @!p1 $0x40  }
0x34: {  	[tilespmem:s17], [sflag:$0x1] =	stream.strided.gather @!p1 [hbm4b:s18+s19], $0x2000, s20, s19, $0x38;
	[tilespmem:$0x8080] =	vst v63  }
0x35: {  	p1 =	sge.u32 s31, s7  }
.Ltmp2:
0x36: {  	_ = 	snop;
	(pc) =	sbr.rel @p1 .LBB1_5-.Ltmp2, $1  }
0x37: {  	_ =	sdelay $0x3  }
0x38: {  	s17 =	simm.s32 $0x1  }
0x39: {  	_ =	swait.ge [sflag:s6], $0x2000;
	s17 =	simm.s32 @!p0 $0x0  }
0x3a: {  	[sflag:s6] =	ssyncset.done $0x0;
	s18 =	sshll.u32 s17, $0xD  }
0x3b: {  	[sflag:s6] =	ssyncadd.s32 $0xFFFFE000;
	s21 =	sor.u32 $0x20, s18  }
0x3c: {  	s17 =	smul.u32 $0x8100, s17;
	v3 =	vld [tilespmem:s21+$0x10]  }
0x3d: {  	s30 =	sand.u32 $0x1, s14;
	v2 =	vld [tilespmem:s21+$0xFFFFFFF0]  }
0x3e: {  	s18 =	smul.u32 $0x8100, s30;
	s17 =	sshrl.u32 s17, $0x2;
	v0 =	vld [tilespmem:s21+$0x0]  }
0x3f: {  	v1 =	vld [tilespmem:s21+$0xFFFFFFE0];
	s19 =	sor.u32 $0x4000, s17  }
0x40: {  	s31 =	sshrl.u32 s18, $0x2;
	s18 =	sadd.s32 $0x0, s19  }
0x41: {  	s20 =	simm.s32 $0x4;
	s21 =	sadd.s32 $0x40, s21;
	s17 =	sor.u32 $0x4000, s31;
	[tilespmem:s18+$0x1830 ss:$0x81] =	vst.msk $0xffff, v3  }
.LBB1_3:
0x42: {  	v3 =	vld [tilespmem:s21+$0x10];
	p1 =	sne.s32 s20, $0x1FC;
	[tilespmem:s18+$0x810 ss:$0x81] =	vst.msk $0xffff, v2;
	s22 =	smov.u32 s20;
	s20 =	sadd.s32 $0x4, s20  }
.Ltmp3:
0x43: {  	v2 =	vld [tilespmem:s21+$0xFFFFFFF0];
	[tilespmem:s18+$0x1020 ss:$0x81] =	vst.msk $0xffff, v0;
	(pc) =	sbr.rel @p1 .LBB1_3-.Ltmp3, $4  }
0x44: {  	v0 =	vld [tilespmem:s21+$0x0];
	[tilespmem:s18+$0x0 ss:$0x81] =	vst.msk $0xffff, v1  }
0x45: {  	s18 =	sshra.s32 s22, $0x2;
	v1 =	vld [tilespmem:s21+$0xFFFFFFE0]  }
0x46: {  	s18 =	sadd.s32 s18, s19  }
0x47: {  	s21 =	sadd.s32 $0x40, s21;
	[tilespmem:s18+$0x1830 ss:$0x81] =	vst.msk $0xffff, v3  }
.Ltmp4:
0x48: {  	_ = 	snop;
	(pc) =	sbr.rel .LBB1_4-.Ltmp4, $1  }
0x49: {  	_ =	sdelay $0x3  }
.LBB1_6:
0x4a: {  	_ =	sfence.sel $0x180000  }
0x4b: {  	s2 =	simm.s32 $0x1;
	[bflag:$0x0] =	sbarrier.arrive $0xFFFF  }
0x4c: {  	s31 =	simm.s32 $0x2;
	[sflag:s2] =	ssyncpa.u1 $0x1  }
0x4d: {  	[sflag:s31] =	ssyncpa.u1 $0x1  }
0x4e: {  	p0 =	sne.s32 s0, $0x0;
	_ =	strace $0x90000047  }
0x4f: {  	s0 =	sadd.s32 @!p0 $0x100000, s1;
	[bflag:$0x2] =	sbarrier.arrive $0xFFFF  }
0x50: {  	[sflag:s0] =	ssyncadd.tile.s32 @!p0 $0x1;
	_ =	shalt  }
.Lfunc_end1:
_tile_overlayer_lowered:
.L_overlay_start_2:
0x51: {  	(tag) =	ssettag $0x2  }
0x52: {  	s0 =	rddreg [dreg:$0x0];
	s2 =	stileid.u32  }
0x53: {  	s1 =	rddreg [dreg:$0x1];
	p0 =	sne.s32 s2, $0x0  }
0x54: {  	s3 =	rddreg [dreg:$0x2];
	[bflag:$0x3] =	sbarrier.arrive $0xFFFF;
	s2 =	simm.s32 @!p0 $0x1C01  }
0x55: {  	[timem:s3], [sflag:s2] =	dma.local @!p0 [hbm:s0], s1  }
0x56: {  	s0 =	simm.s32 @!p0 $0x1  }
0x57: {  	_ =	swait.ge @!p0 [sflag:s0], s1  }
0x58: {  	s1 =	ssub.s32 @!p0 $0x0, s1;
	[sflag:s0] =	ssyncset.done @!p0 $0x0  }
0x59: {  	[sflag:s0] =	ssyncadd.s32 @!p0 s1  }
0x5a: {  	[bflag:$0x3] =	sbarrier.arrive $0xFFFF  }
0x5b: {  	_ =	shalt  }

</sc_bundles>
